<compile_context>
chip_gen: v7x
topology: tpu7x:2x2x1
jax: 0.10.2.dev20260603
libtpu: 0.0.44.dev20260713+nightly
codegen_flags: <defaults>
</compile_context>

<pallas_src>
import functools

import jax
import jax.numpy as jnp
from jax import lax
from jax.experimental import pallas as pl
from jax.experimental.pallas import tpu as pltpu, tpu_sc as plsc

N_NODES = 10000
N_EDGES = 320000
D = 128

NC = 2
NS = 16
NW = NC * NS
K = 80
CHUNKS = 125
EDGES_PER_W = K * CHUNKS
GSIZE = 8
LAST_GROUP = (CHUNKS // GSIZE) * GSIZE
ROWS_PER_TILE = 640
N_PAD = NS * ROWS_PER_TILE
LAST_ROWS = N_NODES - 15 * ROWS_PER_TILE


def _sc_body(src_hbm, dst_hbm, feature_hbm, zeros_hbm, out_hbm,
             src_v, dst_v, buf_a, buf_b, buf_c, acc,
             gsem_a, gsem_b, gsem_c, ssem_a, ssem_b, ssem_c):
    c = lax.axis_index("c")
    s = lax.axis_index("s")
    wid = s * NC + c

    band = acc.at[pl.ds(s * ROWS_PER_TILE, ROWS_PER_TILE)]
    pltpu.async_copy(zeros_hbm, band, ssem_a)
    pltpu.async_copy(src_hbm.at[wid], src_v, ssem_b)
    pltpu.make_async_copy(src_hbm.at[wid], src_v, ssem_b).wait()

    bufs = (buf_a, buf_b, buf_c)
    gsems = (gsem_a, gsem_b, gsem_c)
    ssems = (ssem_a, ssem_b, ssem_c)
    pltpu.async_copy(feature_hbm.at[src_v.at[0]], buf_a, gsem_a)
    pltpu.async_copy(feature_hbm.at[src_v.at[1]], buf_b, gsem_b)
    pltpu.make_async_copy(zeros_hbm, band, ssem_a).wait()
    plsc.subcore_barrier()

    def chunk(j, carry):
        mprev = lax.rem(j + 2, 3)
        for p in range(3):
            @pl.when((mprev == p) & (j >= 1))
            def _(p=p):
                pltpu.make_async_copy(
                    bufs[p], acc.at[dst_v.at[0]], ssems[p]).wait()

        @pl.when(((j & (GSIZE - 1)) == 0) & (j < LAST_GROUP))
        def _():
            pltpu.sync_copy(
                dst_hbm.at[wid, pl.ds((j >> 3) * GSIZE, GSIZE)], dst_v)

        @pl.when(j == LAST_GROUP)
        def _():
            pltpu.sync_copy(
                dst_hbm.at[wid, pl.ds(LAST_GROUP, CHUNKS - LAST_GROUP)],
                dst_v.at[pl.ds(0, CHUNKS - LAST_GROUP)])

        m = lax.rem(j, 3)
        for p in range(3):
            r = (p + 2) % 3

            @pl.when(m == p)
            def _(p=p, r=r):
                pltpu.make_async_copy(
                    feature_hbm.at[src_v.at[j]], bufs[p], gsems[p]).wait()
                pltpu.async_copy(
                    bufs[p], acc.at[dst_v.at[j & (GSIZE - 1)]], ssems[p],
                    add=True)

                @pl.when(j + 2 < CHUNKS)
                def _():
                    pltpu.async_copy(
                        feature_hbm.at[src_v.at[j + 2]], bufs[r], gsems[r])

        return carry

    lax.fori_loop(0, CHUNKS, chunk, 0)
    last = (CHUNKS - 1) % 3
    pltpu.make_async_copy(bufs[last], acc.at[dst_v.at[0]], ssems[last]).wait()
    plsc.subcore_barrier()

    base = c * N_NODES + s * ROWS_PER_TILE

    @pl.when(s < NS - 1)
    def _():
        pltpu.sync_copy(acc.at[pl.ds(s * ROWS_PER_TILE, ROWS_PER_TILE)],
                        out_hbm.at[pl.ds(base, ROWS_PER_TILE)])

    @pl.when(s == NS - 1)
    def _():
        pltpu.sync_copy(acc.at[pl.ds(s * ROWS_PER_TILE, LAST_ROWS)],
                        out_hbm.at[pl.ds(base, LAST_ROWS)])


_sc_aggregate = functools.partial(
    pl.kernel,
    out_type=jax.ShapeDtypeStruct((NC * N_NODES, D), jnp.float32),
    mesh=plsc.VectorSubcoreMesh(core_axis_name="c", subcore_axis_name="s"),
    scratch_types=[
        pltpu.VMEM((CHUNKS, K), jnp.int32),
        pltpu.VMEM((GSIZE, K), jnp.int32),
        pltpu.VMEM((K, D), jnp.float32),
        pltpu.VMEM((K, D), jnp.float32),
        pltpu.VMEM((K, D), jnp.float32),
        pltpu.VMEM_SHARED((N_PAD, D), jnp.float32),
        pltpu.SemaphoreType.DMA,
        pltpu.SemaphoreType.DMA,
        pltpu.SemaphoreType.DMA,
        pltpu.SemaphoreType.DMA,
        pltpu.SemaphoreType.DMA,
        pltpu.SemaphoreType.DMA,
    ],
)(_sc_body)


def _mm_body(h_ref, wt_ref, b_ref, o_ref):
    h = h_ref[0] + h_ref[1]
    o_ref[...] = (
        jnp.dot(h, wt_ref[...], preferred_element_type=jnp.float32)
        + b_ref[...]
    )


def _tc_linear(h2, wt, b2):
    bm = 2000
    return pl.pallas_call(
        _mm_body,
        grid=(N_NODES // bm,),
        in_specs=[
            pl.BlockSpec((2, bm, D), lambda i: (0, i, 0)),
            pl.BlockSpec((D, D), lambda i: (0, 0)),
            pl.BlockSpec((1, D), lambda i: (0, 0)),
        ],
        out_specs=pl.BlockSpec((bm, D), lambda i: (i, 0)),
        out_shape=jax.ShapeDtypeStruct((N_NODES, D), jnp.float32),
    )(h2, wt, b2)


def kernel(edge_index, feature, W, b):
    edge_index = edge_index.astype(jnp.int32)
    src3 = edge_index[0].reshape(NW, CHUNKS, K)
    dst3 = edge_index[1].reshape(NW, CHUNKS, K)
    zeros = jnp.zeros((ROWS_PER_TILE, D), jnp.float32)
    hpart = _sc_aggregate(src3, dst3, feature, zeros)
    h2 = hpart.reshape(NC, N_NODES, D)
    return _tc_linear(h2, W.T, b.reshape(1, D))

# --- scband reference (transcript-rebuilt; emitter-appended) ---
"""Pipeline reference for scband-gcnlayer-27556510171573 (READ-ONLY COPY).

The authoritative reference and input builder live on the scoring server;
editing this copy changes nothing except your own understanding.
"""

import jax, jax.numpy as jnp
import numpy as np

N_NODES = 10000
N_EDGES = 320000
D_IN = 128
D_OUT = 128


def setup_inputs(seed: int = 0) -> dict:
    key = jax.random.key(seed)
    k1, k2, k3, k4 = jax.random.split(key, 4)
    edge_index = jax.random.randint(k1, (2, N_EDGES), 0, N_NODES, dtype=jnp.int64) if jax.config.jax_enable_x64 else jax.random.randint(k1, (2, N_EDGES), 0, N_NODES).astype(jnp.int32)
    feature = jax.random.normal(k2, (N_NODES, D_IN), dtype=jnp.float32)
    # Linear layer params (torch.nn.Linear(in_feats, out_feats)): W [out, in], b [out]
    bound = 1.0 / np.sqrt(D_IN)
    W = jax.random.uniform(k3, (D_OUT, D_IN), dtype=jnp.float32, minval=-bound, maxval=bound)
    b = jax.random.uniform(k4, (D_OUT,), dtype=jnp.float32, minval=-bound, maxval=bound)
    return {"edge_index": edge_index, "feature": feature, "W": W, "b": b}


def reference(edge_index, feature, W, b):
    # DGL update_all(copy_src('h','m'), sum('m','h')):
    # each edge carries feature[src]; messages are sum-reduced at dst.
    src = edge_index[0]
    dst = edge_index[1]
    msgs = jnp.take(feature, src, axis=0)            # gather: [E, D_IN]
    h = jax.ops.segment_sum(msgs, dst, num_segments=N_NODES)  # scatter-add: [N, D_IN]
    # self.linear(h)
    out = h @ W.T + b
    return out

if __name__ == "__main__":
    import jax
    _d = setup_inputs()
    print(jax.jit(kernel)(*tuple(_d.values())))

</pallas_src>

<mosaic_0001>
#map = affine_map<(d0, d1) -> (0, 0, 0)>
#map1 = affine_map<(d0, d1) -> (0, 0)>
module attributes {stable_mosaic.version = 14 : i64} {
  func.func @_sc_body(%arg0: i32, %arg1: i32, %arg2: memref<32x125x80xi32, #tpu.memory_space<hbm>>, %arg3: memref<32x125x80xi32, #tpu.memory_space<hbm>>, %arg4: memref<10000x128xf32, #tpu.memory_space<hbm>>, %arg5: memref<640x128xf32, #tpu.memory_space<hbm>>, %arg6: memref<20000x128xf32, #tpu.memory_space<hbm>>, %arg7: memref<125x80xi32, #tpu.memory_space<vmem>>, %arg8: memref<8x80xi32, #tpu.memory_space<vmem>>, %arg9: memref<80x128xf32, #tpu.memory_space<vmem>>, %arg10: memref<80x128xf32, #tpu.memory_space<vmem>>, %arg11: memref<80x128xf32, #tpu.memory_space<vmem>>, %arg12: memref<10240x128xf32, #tpu.memory_space<vmem_shared>>, %arg13: memref<!tpu.dma_semaphore, #tpu.memory_space<semaphore_mem>>, %arg14: memref<!tpu.dma_semaphore, #tpu.memory_space<semaphore_mem>>, %arg15: memref<!tpu.dma_semaphore, #tpu.memory_space<semaphore_mem>>, %arg16: memref<!tpu.dma_semaphore, #tpu.memory_space<semaphore_mem>>, %arg17: memref<!tpu.dma_semaphore, #tpu.memory_space<semaphore_mem>>, %arg18: memref<!tpu.dma_semaphore, #tpu.memory_space<semaphore_mem>>) attributes {dimension_semantics = [#tpu.dimension_semantics<core_parallel>, #tpu.dimension_semantics<subcore_parallel>], iteration_bounds = array<i64: 2, 16>, scalar_prefetch = 0 : i64, scratch_operands = 12 : i64, tpu.core_type = #tpu.core_type<sc_vector_subcore>, window_params = [{transform_indices = #map}, {transform_indices = #map}, {transform_indices = #map1}, {transform_indices = #map1}, {transform_indices = #map1}]} {
    %mul3A = arith.constant 2 : i32
    %mul3A_0 = arith.muli %arg1, %mul3A : i32
    %add3A = arith.addi %mul3A_0, %arg0 : i32
    %mul3A_1 = arith.constant 640 : i32
    %mul3A_2 = arith.muli %arg1, %mul3A_1 : i32
    %dma_start3A = arith.constant 0 : i32
    %dma_start3A_3 = tpu.memref_slice %arg12[%mul3A_2, %dma_start3A] : memref<10240x128xf32, #tpu.memory_space<vmem_shared>> -> memref<640x128xf32, #tpu.memory_space<vmem_shared>>
    tpu.enqueue_dma source(%arg5 : memref<640x128xf32, #tpu.memory_space<hbm>>) target(%dma_start3A_3 : memref<640x128xf32, #tpu.memory_space<vmem_shared>>) target_semaphore(%arg16 : memref<!tpu.dma_semaphore, #tpu.memory_space<semaphore_mem>>)
    %dma_start3A_4 = arith.constant 0 : i32
    %dma_start3A_5 = arith.constant 0 : i32
    %dma_start3A_6 = tpu.memref_slice %arg2[%add3A, %dma_start3A_4, %dma_start3A_5] : memref<32x125x80xi32, #tpu.memory_space<hbm>> -> memref<1x125x80xi32, #tpu.memory_space<hbm>>
    %dma_start3A_7 = tpu.memref_squeeze %dma_start3A_6 : memref<1x125x80xi32, #tpu.memory_space<hbm>> -> memref<125x80xi32, #tpu.memory_space<hbm>>
    %dma_start3A_8 = arith.constant 0 : i32
    %dma_start3A_9 = arith.constant 0 : i32
    %dma_start3A_10 = tpu.memref_slice %arg2[%add3A, %dma_start3A_8, %dma_start3A_9] : memref<32x125x80xi32, #tpu.memory_space<hbm>> -> memref<1x125x80xi32, #tpu.memory_space<hbm>>
    %dma_start3A_11 = tpu.memref_squeeze %dma_start3A_10 : memref<1x125x80xi32, #tpu.memory_space<hbm>> -> memref<125x80xi32, #tpu.memory_space<hbm>>
    tpu.enqueue_dma source(%dma_start3A_11 : memref<125x80xi32, #tpu.memory_space<hbm>>) target(%arg7 : memref<125x80xi32, #tpu.memory_space<vmem>>) target_semaphore(%arg17 : memref<!tpu.dma_semaphore, #tpu.memory_space<semaphore_mem>>)
    %dma_wait3A = arith.constant 0 : i32
    %dma_wait3A_12 = arith.constant 0 : i32
    %dma_wait3A_13 = tpu.memref_slice %arg2[%add3A, %dma_wait3A, %dma_wait3A_12] : memref<32x125x80xi32, #tpu.memory_space<hbm>> -> memref<1x125x80xi32, #tpu.memory_space<hbm>>
    %dma_wait3A_14 = tpu.memref_squeeze %dma_wait3A_13 : memref<1x125x80xi32, #tpu.memory_space<hbm>> -> memref<125x80xi32, #tpu.memory_space<hbm>>
    %dma_wait3A_15 = arith.constant 0 : i32
    %dma_wait3A_16 = arith.constant 0 : i32
    %dma_wait3A_17 = tpu.memref_slice %arg2[%add3A, %dma_wait3A_15, %dma_wait3A_16] : memref<32x125x80xi32, #tpu.memory_space<hbm>> -> memref<1x125x80xi32, #tpu.memory_space<hbm>>
    %dma_wait3A_18 = tpu.memref_squeeze %dma_wait3A_17 : memref<1x125x80xi32, #tpu.memory_space<hbm>> -> memref<125x80xi32, #tpu.memory_space<hbm>>
    tpu.wait_dma2 semaphore(%arg17 : memref<!tpu.dma_semaphore, #tpu.memory_space<semaphore_mem>>) src(%dma_wait3A_18 : memref<125x80xi32, #tpu.memory_space<hbm>>) dst(%arg7 : memref<125x80xi32, #tpu.memory_space<vmem>>)
    %dma_start3A_19 = arith.constant 0 : i32
    %dma_start3A_20 = arith.constant 0 : i32
    %dma_start3A_21 = tpu.memref_slice %arg7[%dma_start3A_19, %dma_start3A_20] : memref<125x80xi32, #tpu.memory_space<vmem>> -> memref<1x80xi32, #tpu.memory_space<vmem>>
    %dma_start3A_22 = tpu.memref_squeeze %dma_start3A_21 : memref<1x80xi32, #tpu.memory_space<vmem>> -> memref<80xi32, #tpu.memory_space<vmem>>
    %dma_start3A_23 = arith.constant 0 : i32
    %dma_start3A_24 = arith.constant 0 : i32
    %dma_start3A_25 = tpu.memref_slice %arg4[%dma_start3A_23, %dma_start3A_24] : memref<10000x128xf32, #tpu.memory_space<hbm>> -> memref<10000x128xf32, #tpu.memory_space<hbm>>
    tpu.enqueue_indirect_dma source(%dma_start3A_25 : memref<10000x128xf32, #tpu.memory_space<hbm>>) target(%arg9 : memref<80x128xf32, #tpu.memory_space<vmem>>) offsets(%dma_start3A_22 : memref<80xi32, #tpu.memory_space<vmem>>) semaphore(%arg13 : memref<!tpu.dma_semaphore, #tpu.memory_space<semaphore_mem>>)
    %dma_start3A_26 = arith.constant 1 : i32
    %dma_start3A_27 = arith.constant 0 : i32
    %dma_start3A_28 = tpu.memref_slice %arg7[%dma_start3A_26, %dma_start3A_27] : memref<125x80xi32, #tpu.memory_space<vmem>> -> memref<1x80xi32, #tpu.memory_space<vmem>>
    %dma_start3A_29 = tpu.memref_squeeze %dma_start3A_28 : memref<1x80xi32, #tpu.memory_space<vmem>> -> memref<80xi32, #tpu.memory_space<vmem>>
    %dma_start3A_30 = arith.constant 0 : i32
    %dma_start3A_31 = arith.constant 0 : i32
    %dma_start3A_32 = tpu.memref_slice %arg4[%dma_start3A_30, %dma_start3A_31] : memref<10000x128xf32, #tpu.memory_space<hbm>> -> memref<10000x128xf32, #tpu.memory_space<hbm>>
    tpu.enqueue_indirect_dma source(%dma_start3A_32 : memref<10000x128xf32, #tpu.memory_space<hbm>>) target(%arg10 : memref<80x128xf32, #tpu.memory_space<vmem>>) offsets(%dma_start3A_29 : memref<80xi32, #tpu.memory_space<vmem>>) semaphore(%arg14 : memref<!tpu.dma_semaphore, #tpu.memory_space<semaphore_mem>>)
    %dma_wait3A_33 = arith.constant 0 : i32
    %dma_wait3A_34 = tpu.memref_slice %arg12[%mul3A_2, %dma_wait3A_33] : memref<10240x128xf32, #tpu.memory_space<vmem_shared>> -> memref<640x128xf32, #tpu.memory_space<vmem_shared>>
    tpu.wait_dma2 semaphore(%arg16 : memref<!tpu.dma_semaphore, #tpu.memory_space<semaphore_mem>>) src(%arg5 : memref<640x128xf32, #tpu.memory_space<hbm>>) dst(%dma_wait3A_34 : memref<640x128xf32, #tpu.memory_space<vmem_shared>>)
    %barrier3A = arith.constant 0 : index
    tpu.barrier barrier_id(%barrier3A)
    %scan3A = arith.constant 0 : i32
    %scan3A_35 = arith.constant 0 : i32
    %scan3A_36 = arith.constant 125 : i32
    %scan3A_37 = arith.addi %scan3A_35, %scan3A_36 : i32
    %scan3A_38 = arith.constant 1 : i32
    scf.for %scan3A_59 = %scan3A_35 to %scan3A_37 step %scan3A_38  : i32 {
      %add3A_60 = arith.constant 2 : i32
      %add3A_61 = arith.addi %scan3A_59, %add3A_60 : i32
      %rem3A = arith.constant 3 : i32
      %rem3A_62 = arith.remsi %add3A_61, %rem3A : i32
      %eq3A_63 = arith.constant 0 : i32
      %eq3A_64 = arith.cmpi eq, %rem3A_62, %eq3A_63 : i32
      %ge3A = arith.constant 1 : i32
      %ge3A_65 = arith.cmpi sge, %scan3A_59, %ge3A : i32
      %and3A = arith.andi %eq3A_64, %ge3A_65 : i1
      %convert_element_type3A_66 = arith.extui %and3A : i1 to i32
      %cond3A_67 = arith.constant 0 : i32
      %cond3A_68 = arith.cmpi ne, %convert_element_type3A_66, %cond3A_67 : i32
      scf.if %cond3A_68 {
        %dma_wait3A_117 = arith.constant 0 : i32
        %dma_wait3A_118 = arith.constant 0 : i32
        %dma_wait3A_119 = tpu.memref_slice %arg8[%dma_wait3A_117, %dma_wait3A_118] : memref<8x80xi32, #tpu.memory_space<vmem>> -> memref<1x80xi32, #tpu.memory_space<vmem>>
        %dma_wait3A_120 = tpu.memref_squeeze %dma_wait3A_119 : memref<1x80xi32, #tpu.memory_space<vmem>> -> memref<80xi32, #tpu.memory_space<vmem>>
        %dma_wait3A_121 = arith.constant 0 : i32
        %dma_wait3A_122 = arith.constant 0 : i32
        %dma_wait3A_123 = tpu.memref_slice %arg12[%dma_wait3A_121, %dma_wait3A_122] : memref<10240x128xf32, #tpu.memory_space<vmem_shared>> -> memref<10240x128xf32, #tpu.memory_space<vmem_shared>>
        tpu.wait_indirect_dma semaphore(%arg16 : memref<!tpu.dma_semaphore, #tpu.memory_space<semaphore_mem>>) src(%arg9 : memref<80x128xf32, #tpu.memory_space<vmem>>) dst(%dma_wait3A_123 : memref<10240x128xf32, #tpu.memory_space<vmem_shared>>)
      } else {
      }
      %eq3A_69 = arith.constant 1 : i32
      %eq3A_70 = arith.cmpi eq, %rem3A_62, %eq3A_69 : i32
      %ge3A_71 = arith.constant 1 : i32
      %ge3A_72 = arith.cmpi sge, %scan3A_59, %ge3A_71 : i32
      %and3A_73 = arith.andi %eq3A_70, %ge3A_72 : i1
      %convert_element_type3A_74 = arith.extui %and3A_73 : i1 to i32
      %cond3A_75 = arith.constant 0 : i32
      %cond3A_76 = arith.cmpi ne, %convert_element_type3A_74, %cond3A_75 : i32
      scf.if %cond3A_76 {
        %dma_wait3A_117 = arith.constant 0 : i32
        %dma_wait3A_118 = arith.constant 0 : i32
        %dma_wait3A_119 = tpu.memref_slice %arg8[%dma_wait3A_117, %dma_wait3A_118] : memref<8x80xi32, #tpu.memory_space<vmem>> -> memref<1x80xi32, #tpu.memory_space<vmem>>
        %dma_wait3A_120 = tpu.memref_squeeze %dma_wait3A_119 : memref<1x80xi32, #tpu.memory_space<vmem>> -> memref<80xi32, #tpu.memory_space<vmem>>
        %dma_wait3A_121 = arith.constant 0 : i32
        %dma_wait3A_122 = arith.constant 0 : i32
        %dma_wait3A_123 = tpu.memref_slice %arg12[%dma_wait3A_121, %dma_wait3A_122] : memref<10240x128xf32, #tpu.memory_space<vmem_shared>> -> memref<10240x128xf32, #tpu.memory_space<vmem_shared>>
        tpu.wait_indirect_dma semaphore(%arg17 : memref<!tpu.dma_semaphore, #tpu.memory_space<semaphore_mem>>) src(%arg10 : memref<80x128xf32, #tpu.memory_space<vmem>>) dst(%dma_wait3A_123 : memref<10240x128xf32, #tpu.memory_space<vmem_shared>>)
      } else {
      }
      %eq3A_77 = arith.constant 2 : i32
      %eq3A_78 = arith.cmpi eq, %rem3A_62, %eq3A_77 : i32
      %ge3A_79 = arith.constant 1 : i32
      %ge3A_80 = arith.cmpi sge, %scan3A_59, %ge3A_79 : i32
      %and3A_81 = arith.andi %eq3A_78, %ge3A_80 : i1
      %convert_element_type3A_82 = arith.extui %and3A_81 : i1 to i32
      %cond3A_83 = arith.constant 0 : i32
      %cond3A_84 = arith.cmpi ne, %convert_element_type3A_82, %cond3A_83 : i32
      scf.if %cond3A_84 {
        %dma_wait3A_117 = arith.constant 0 : i32
        %dma_wait3A_118 = arith.constant 0 : i32
        %dma_wait3A_119 = tpu.memref_slice %arg8[%dma_wait3A_117, %dma_wait3A_118] : memref<8x80xi32, #tpu.memory_space<vmem>> -> memref<1x80xi32, #tpu.memory_space<vmem>>
        %dma_wait3A_120 = tpu.memref_squeeze %dma_wait3A_119 : memref<1x80xi32, #tpu.memory_space<vmem>> -> memref<80xi32, #tpu.memory_space<vmem>>
        %dma_wait3A_121 = arith.constant 0 : i32
        %dma_wait3A_122 = arith.constant 0 : i32
        %dma_wait3A_123 = tpu.memref_slice %arg12[%dma_wait3A_121, %dma_wait3A_122] : memref<10240x128xf32, #tpu.memory_space<vmem_shared>> -> memref<10240x128xf32, #tpu.memory_space<vmem_shared>>
        tpu.wait_indirect_dma semaphore(%arg18 : memref<!tpu.dma_semaphore, #tpu.memory_space<semaphore_mem>>) src(%arg11 : memref<80x128xf32, #tpu.memory_space<vmem>>) dst(%dma_wait3A_123 : memref<10240x128xf32, #tpu.memory_space<vmem_shared>>)
      } else {
      }
      %and3A_85 = arith.constant 7 : i32
      %and3A_86 = arith.andi %scan3A_59, %and3A_85 : i32
      %eq3A_87 = arith.constant 0 : i32
      %eq3A_88 = arith.cmpi eq, %and3A_86, %eq3A_87 : i32
      %lt3A_89 = arith.constant 120 : i32
      %lt3A_90 = arith.cmpi slt, %scan3A_59, %lt3A_89 : i32
      %and3A_91 = arith.andi %eq3A_88, %lt3A_90 : i1
      %convert_element_type3A_92 = arith.extui %and3A_91 : i1 to i32
      %cond3A_93 = arith.constant 0 : i32
      %cond3A_94 = arith.cmpi ne, %convert_element_type3A_92, %cond3A_93 : i32
      scf.if %cond3A_94 {
        %shift_right_arithmetic3A = arith.constant 3 : i32
        %shift_right_arithmetic3A_117 = arith.shrsi %scan3A_59, %shift_right_arithmetic3A : i32
        %mul3A_118 = arith.constant 8 : i32
        %mul3A_119 = arith.muli %shift_right_arithmetic3A_117, %mul3A_118 : i32
        "tpu.region"() ({
          %run_scoped3A = tpu.sem_alloc : memref<!tpu.dma_semaphore, #tpu.memory_space<semaphore_mem>>
          %dma_start3A_120 = arith.constant 0 : i32
          %dma_start3A_121 = tpu.memref_slice %arg3[%add3A, %mul3A_119, %dma_start3A_120] : memref<32x125x80xi32, #tpu.memory_space<hbm>> -> memref<1x8x80xi32, #tpu.memory_space<hbm>>
          %dma_start3A_122 = tpu.memref_squeeze %dma_start3A_121 : memref<1x8x80xi32, #tpu.memory_space<hbm>> -> memref<8x80xi32, #tpu.memory_space<hbm>>
          %dma_start3A_123 = arith.constant 0 : i32
          %dma_start3A_124 = tpu.memref_slice %arg3[%add3A, %mul3A_119, %dma_start3A_123] : memref<32x125x80xi32, #tpu.memory_space<hbm>> -> memref<1x8x80xi32, #tpu.memory_space<hbm>>
          %dma_start3A_125 = tpu.memref_squeeze %dma_start3A_124 : memref<1x8x80xi32, #tpu.memory_space<hbm>> -> memref<8x80xi32, #tpu.memory_space<hbm>>
          tpu.enqueue_dma source(%dma_start3A_125 : memref<8x80xi32, #tpu.memory_space<hbm>>) target(%arg8 : memref<8x80xi32, #tpu.memory_space<vmem>>) target_semaphore(%run_scoped3A : memref<!tpu.dma_semaphore, #tpu.memory_space<semaphore_mem>>)
          %dma_wait3A_126 = arith.constant 0 : i32
          %dma_wait3A_127 = tpu.memref_slice %arg3[%add3A, %mul3A_119, %dma_wait3A_126] : memref<32x125x80xi32, #tpu.memory_space<hbm>> -> memref<1x8x80xi32, #tpu.memory_space<hbm>>
          %dma_wait3A_128 = tpu.memref_squeeze %dma_wait3A_127 : memref<1x8x80xi32, #tpu.memory_space<hbm>> -> memref<8x80xi32, #tpu.memory_space<hbm>>
          %dma_wait3A_129 = arith.constant 0 : i32
          %dma_wait3A_130 = tpu.memref_slice %arg3[%add3A, %mul3A_119, %dma_wait3A_129] : memref<32x125x80xi32, #tpu.memory_space<hbm>> -> memref<1x8x80xi32, #tpu.memory_space<hbm>>
          %dma_wait3A_131 = tpu.memref_squeeze %dma_wait3A_130 : memref<1x8x80xi32, #tpu.memory_space<hbm>> -> memref<8x80xi32, #tpu.memory_space<hbm>>
          tpu.wait_dma2 semaphore(%run_scoped3A : memref<!tpu.dma_semaphore, #tpu.memory_space<semaphore_mem>>) src(%dma_wait3A_131 : memref<8x80xi32, #tpu.memory_space<hbm>>) dst(%arg8 : memref<8x80xi32, #tpu.memory_space<vmem>>)
          tpu.yield
        }) : () -> ()
      } else {
      }
      %eq3A_95 = arith.constant 120 : i32
      %eq3A_96 = arith.cmpi eq, %scan3A_59, %eq3A_95 : i32
      %convert_element_type3A_97 = arith.extui %eq3A_96 : i1 to i32
      %cond3A_98 = arith.constant 0 : i32
      %cond3A_99 = arith.cmpi ne, %convert_element_type3A_97, %cond3A_98 : i32
      scf.if %cond3A_99 {
        "tpu.region"() ({
          %run_scoped3A = tpu.sem_alloc : memref<!tpu.dma_semaphore, #tpu.memory_space<semaphore_mem>>
          %dma_start3A_117 = arith.constant 0 : i32
          %dma_start3A_118 = arith.constant 0 : i32
          %dma_start3A_119 = tpu.memref_slice %arg8[%dma_start3A_117, %dma_start3A_118] : memref<8x80xi32, #tpu.memory_space<vmem>> -> memref<5x80xi32, #tpu.memory_space<vmem>>
          %dma_start3A_120 = arith.constant 120 : i32
          %dma_start3A_121 = arith.constant 0 : i32
          %dma_start3A_122 = tpu.memref_slice %arg3[%add3A, %dma_start3A_120, %dma_start3A_121] : memref<32x125x80xi32, #tpu.memory_space<hbm>> -> memref<1x5x80xi32, #tpu.memory_space<hbm>>
          %dma_start3A_123 = tpu.memref_squeeze %dma_start3A_122 : memref<1x5x80xi32, #tpu.memory_space<hbm>> -> memref<5x80xi32, #tpu.memory_space<hbm>>
          %dma_start3A_124 = arith.constant 0 : i32
          %dma_start3A_125 = arith.constant 0 : i32
          %dma_start3A_126 = tpu.memref_slice %arg8[%dma_start3A_124, %dma_start3A_125] : memref<8x80xi32, #tpu.memory_space<vmem>> -> memref<5x80xi32, #tpu.memory_space<vmem>>
          %dma_start3A_127 = arith.constant 120 : i32
          %dma_start3A_128 = arith.constant 0 : i32
          %dma_start3A_129 = tpu.memref_slice %arg3[%add3A, %dma_start3A_127, %dma_start3A_128] : memref<32x125x80xi32, #tpu.memory_space<hbm>> -> memref<1x5x80xi32, #tpu.memory_space<hbm>>
          %dma_start3A_130 = tpu.memref_squeeze %dma_start3A_129 : memref<1x5x80xi32, #tpu.memory_space<hbm>> -> memref<5x80xi32, #tpu.memory_space<hbm>>
          tpu.enqueue_dma source(%dma_start3A_130 : memref<5x80xi32, #tpu.memory_space<hbm>>) target(%dma_start3A_126 : memref<5x80xi32, #tpu.memory_space<vmem>>) target_semaphore(%run_scoped3A : memref<!tpu.dma_semaphore, #tpu.memory_space<semaphore_mem>>)
          %dma_wait3A_131 = arith.constant 0 : i32
          %dma_wait3A_132 = arith.constant 0 : i32
          %dma_wait3A_133 = tpu.memref_slice %arg8[%dma_wait3A_131, %dma_wait3A_132] : memref<8x80xi32, #tpu.memory_space<vmem>> -> memref<5x80xi32, #tpu.memory_space<vmem>>
          %dma_wait3A_134 = arith.constant 120 : i32
          %dma_wait3A_135 = arith.constant 0 : i32
          %dma_wait3A_136 = tpu.memref_slice %arg3[%add3A, %dma_wait3A_134, %dma_wait3A_135] : memref<32x125x80xi32, #tpu.memory_space<hbm>> -> memref<1x5x80xi32, #tpu.memory_space<hbm>>
          %dma_wait3A_137 = tpu.memref_squeeze %dma_wait3A_136 : memref<1x5x80xi32, #tpu.memory_space<hbm>> -> memref<5x80xi32, #tpu.memory_space<hbm>>
          %dma_wait3A_138 = arith.constant 0 : i32
          %dma_wait3A_139 = arith.constant 0 : i32
          %dma_wait3A_140 = tpu.memref_slice %arg8[%dma_wait3A_138, %dma_wait3A_139] : memref<8x80xi32, #tpu.memory_space<vmem>> -> memref<5x80xi32, #tpu.memory_space<vmem>>
          %dma_wait3A_141 = arith.constant 120 : i32
          %dma_wait3A_142 = arith.constant 0 : i32
          %dma_wait3A_143 = tpu.memref_slice %arg3[%add3A, %dma_wait3A_141, %dma_wait3A_142] : memref<32x125x80xi32, #tpu.memory_space<hbm>> -> memref<1x5x80xi32, #tpu.memory_space<hbm>>
          %dma_wait3A_144 = tpu.memref_squeeze %dma_wait3A_143 : memref<1x5x80xi32, #tpu.memory_space<hbm>> -> memref<5x80xi32, #tpu.memory_space<hbm>>
          tpu.wait_dma2 semaphore(%run_scoped3A : memref<!tpu.dma_semaphore, #tpu.memory_space<semaphore_mem>>) src(%dma_wait3A_144 : memref<5x80xi32, #tpu.memory_space<hbm>>) dst(%dma_wait3A_140 : memref<5x80xi32, #tpu.memory_space<vmem>>)
          tpu.yield
        }) : () -> ()
      } else {
      }
      %rem3A_100 = arith.constant 3 : i32
      %rem3A_101 = arith.remsi %scan3A_59, %rem3A_100 : i32
      %eq3A_102 = arith.constant 0 : i32
      %eq3A_103 = arith.cmpi eq, %rem3A_101, %eq3A_102 : i32
      %convert_element_type3A_104 = arith.extui %eq3A_103 : i1 to i32
      %cond3A_105 = arith.constant 0 : i32
      %cond3A_106 = arith.cmpi ne, %convert_element_type3A_104, %cond3A_105 : i32
      scf.if %cond3A_106 {
        %dma_wait3A_117 = arith.constant 0 : i32
        %dma_wait3A_118 = tpu.memref_slice %arg7[%scan3A_59, %dma_wait3A_117] : memref<125x80xi32, #tpu.memory_space<vmem>> -> memref<1x80xi32, #tpu.memory_space<vmem>>
        %dma_wait3A_119 = tpu.memref_squeeze %dma_wait3A_118 : memref<1x80xi32, #tpu.memory_space<vmem>> -> memref<80xi32, #tpu.memory_space<vmem>>
        %dma_wait3A_120 = arith.constant 0 : i32
        %dma_wait3A_121 = arith.constant 0 : i32
        %dma_wait3A_122 = tpu.memref_slice %arg4[%dma_wait3A_120, %dma_wait3A_121] : memref<10000x128xf32, #tpu.memory_space<hbm>> -> memref<10000x128xf32, #tpu.memory_space<hbm>>
        tpu.wait_indirect_dma semaphore(%arg13 : memref<!tpu.dma_semaphore, #tpu.memory_space<semaphore_mem>>) src(%dma_wait3A_122 : memref<10000x128xf32, #tpu.memory_space<hbm>>) dst(%arg9 : memref<80x128xf32, #tpu.memory_space<vmem>>)
        %and3A_123 = arith.constant 7 : i32
        %and3A_124 = arith.andi %scan3A_59, %and3A_123 : i32
        %dma_start3A_125 = arith.constant 0 : i32
        %dma_start3A_126 = tpu.memref_slice %arg8[%and3A_124, %dma_start3A_125] : memref<8x80xi32, #tpu.memory_space<vmem>> -> memref<1x80xi32, #tpu.memory_space<vmem>>
        %dma_start3A_127 = tpu.memref_squeeze %dma_start3A_126 : memref<1x80xi32, #tpu.memory_space<vmem>> -> memref<80xi32, #tpu.memory_space<vmem>>
        %dma_start3A_128 = arith.constant 0 : i32
        %dma_start3A_129 = arith.constant 0 : i32
        %dma_start3A_130 = tpu.memref_slice %arg12[%dma_start3A_128, %dma_start3A_129] : memref<10240x128xf32, #tpu.memory_space<vmem_shared>> -> memref<10240x128xf32, #tpu.memory_space<vmem_shared>>
        tpu.enqueue_indirect_dma source(%arg9 : memref<80x128xf32, #tpu.memory_space<vmem>>) target(%dma_start3A_130 : memref<10240x128xf32, #tpu.memory_space<vmem_shared>>) offsets(%dma_start3A_127 : memref<80xi32, #tpu.memory_space<vmem>>) semaphore(%arg16 : memref<!tpu.dma_semaphore, #tpu.memory_space<semaphore_mem>>) {add = true}
        %add3A_131 = arith.constant 2 : i32
        %add3A_132 = arith.addi %scan3A_59, %add3A_131 : i32
        %lt3A_133 = arith.constant 125 : i32
        %lt3A_134 = arith.cmpi slt, %add3A_132, %lt3A_133 : i32
        %convert_element_type3A_135 = arith.extui %lt3A_134 : i1 to i32
        %cond3A_136 = arith.constant 0 : i32
        %cond3A_137 = arith.cmpi ne, %convert_element_type3A_135, %cond3A_136 : i32
        scf.if %cond3A_137 {
          %add3A_138 = arith.constant 2 : i32
          %add3A_139 = arith.addi %scan3A_59, %add3A_138 : i32
          %dma_start3A_140 = arith.constant 0 : i32
          %dma_start3A_141 = tpu.memref_slice %arg7[%add3A_139, %dma_start3A_140] : memref<125x80xi32, #tpu.memory_space<vmem>> -> memref<1x80xi32, #tpu.memory_space<vmem>>
          %dma_start3A_142 = tpu.memref_squeeze %dma_start3A_141 : memref<1x80xi32, #tpu.memory_space<vmem>> -> memref<80xi32, #tpu.memory_space<vmem>>
          %dma_start3A_143 = arith.constant 0 : i32
          %dma_start3A_144 = arith.constant 0 : i32
          %dma_start3A_145 = tpu.memref_slice %arg4[%dma_start3A_143, %dma_start3A_144] : memref<10000x128xf32, #tpu.memory_space<hbm>> -> memref<10000x128xf32, #tpu.memory_space<hbm>>
          tpu.enqueue_indirect_dma source(%dma_start3A_145 : memref<10000x128xf32, #tpu.memory_space<hbm>>) target(%arg11 : memref<80x128xf32, #tpu.memory_space<vmem>>) offsets(%dma_start3A_142 : memref<80xi32, #tpu.memory_space<vmem>>) semaphore(%arg15 : memref<!tpu.dma_semaphore, #tpu.memory_space<semaphore_mem>>)
        } else {
        }
      } else {
      }
      %eq3A_107 = arith.constant 1 : i32
      %eq3A_108 = arith.cmpi eq, %rem3A_101, %eq3A_107 : i32
      %convert_element_type3A_109 = arith.extui %eq3A_108 : i1 to i32
      %cond3A_110 = arith.constant 0 : i32
      %cond3A_111 = arith.cmpi ne, %convert_element_type3A_109, %cond3A_110 : i32
      scf.if %cond3A_111 {
        %dma_wait3A_117 = arith.constant 0 : i32
        %dma_wait3A_118 = tpu.memref_slice %arg7[%scan3A_59, %dma_wait3A_117] : memref<125x80xi32, #tpu.memory_space<vmem>> -> memref<1x80xi32, #tpu.memory_space<vmem>>
        %dma_wait3A_119 = tpu.memref_squeeze %dma_wait3A_118 : memref<1x80xi32, #tpu.memory_space<vmem>> -> memref<80xi32, #tpu.memory_space<vmem>>
        %dma_wait3A_120 = arith.constant 0 : i32
        %dma_wait3A_121 = arith.constant 0 : i32
        %dma_wait3A_122 = tpu.memref_slice %arg4[%dma_wait3A_120, %dma_wait3A_121] : memref<10000x128xf32, #tpu.memory_space<hbm>> -> memref<10000x128xf32, #tpu.memory_space<hbm>>
        tpu.wait_indirect_dma semaphore(%arg14 : memref<!tpu.dma_semaphore, #tpu.memory_space<semaphore_mem>>) src(%dma_wait3A_122 : memref<10000x128xf32, #tpu.memory_space<hbm>>) dst(%arg10 : memref<80x128xf32, #tpu.memory_space<vmem>>)
        %and3A_123 = arith.constant 7 : i32
        %and3A_124 = arith.andi %scan3A_59, %and3A_123 : i32
        %dma_start3A_125 = arith.constant 0 : i32
        %dma_start3A_126 = tpu.memref_slice %arg8[%and3A_124, %dma_start3A_125] : memref<8x80xi32, #tpu.memory_space<vmem>> -> memref<1x80xi32, #tpu.memory_space<vmem>>
        %dma_start3A_127 = tpu.memref_squeeze %dma_start3A_126 : memref<1x80xi32, #tpu.memory_space<vmem>> -> memref<80xi32, #tpu.memory_space<vmem>>
        %dma_start3A_128 = arith.constant 0 : i32
        %dma_start3A_129 = arith.constant 0 : i32
        %dma_start3A_130 = tpu.memref_slice %arg12[%dma_start3A_128, %dma_start3A_129] : memref<10240x128xf32, #tpu.memory_space<vmem_shared>> -> memref<10240x128xf32, #tpu.memory_space<vmem_shared>>
        tpu.enqueue_indirect_dma source(%arg10 : memref<80x128xf32, #tpu.memory_space<vmem>>) target(%dma_start3A_130 : memref<10240x128xf32, #tpu.memory_space<vmem_shared>>) offsets(%dma_start3A_127 : memref<80xi32, #tpu.memory_space<vmem>>) semaphore(%arg17 : memref<!tpu.dma_semaphore, #tpu.memory_space<semaphore_mem>>) {add = true}
        %add3A_131 = arith.constant 2 : i32
        %add3A_132 = arith.addi %scan3A_59, %add3A_131 : i32
        %lt3A_133 = arith.constant 125 : i32
        %lt3A_134 = arith.cmpi slt, %add3A_132, %lt3A_133 : i32
        %convert_element_type3A_135 = arith.extui %lt3A_134 : i1 to i32
        %cond3A_136 = arith.constant 0 : i32
        %cond3A_137 = arith.cmpi ne, %convert_element_type3A_135, %cond3A_136 : i32
        scf.if %cond3A_137 {
          %add3A_138 = arith.constant 2 : i32
          %add3A_139 = arith.addi %scan3A_59, %add3A_138 : i32
          %dma_start3A_140 = arith.constant 0 : i32
          %dma_start3A_141 = tpu.memref_slice %arg7[%add3A_139, %dma_start3A_140] : memref<125x80xi32, #tpu.memory_space<vmem>> -> memref<1x80xi32, #tpu.memory_space<vmem>>
          %dma_start3A_142 = tpu.memref_squeeze %dma_start3A_141 : memref<1x80xi32, #tpu.memory_space<vmem>> -> memref<80xi32, #tpu.memory_space<vmem>>
          %dma_start3A_143 = arith.constant 0 : i32
          %dma_start3A_144 = arith.constant 0 : i32
          %dma_start3A_145 = tpu.memref_slice %arg4[%dma_start3A_143, %dma_start3A_144] : memref<10000x128xf32, #tpu.memory_space<hbm>> -> memref<10000x128xf32, #tpu.memory_space<hbm>>
          tpu.enqueue_indirect_dma source(%dma_start3A_145 : memref<10000x128xf32, #tpu.memory_space<hbm>>) target(%arg9 : memref<80x128xf32, #tpu.memory_space<vmem>>) offsets(%dma_start3A_142 : memref<80xi32, #tpu.memory_space<vmem>>) semaphore(%arg13 : memref<!tpu.dma_semaphore, #tpu.memory_space<semaphore_mem>>)
        } else {
        }
      } else {
      }
      %eq3A_112 = arith.constant 2 : i32
      %eq3A_113 = arith.cmpi eq, %rem3A_101, %eq3A_112 : i32
      %convert_element_type3A_114 = arith.extui %eq3A_113 : i1 to i32
      %cond3A_115 = arith.constant 0 : i32
      %cond3A_116 = arith.cmpi ne, %convert_element_type3A_114, %cond3A_115 : i32
      scf.if %cond3A_116 {
        %dma_wait3A_117 = arith.constant 0 : i32
        %dma_wait3A_118 = tpu.memref_slice %arg7[%scan3A_59, %dma_wait3A_117] : memref<125x80xi32, #tpu.memory_space<vmem>> -> memref<1x80xi32, #tpu.memory_space<vmem>>
        %dma_wait3A_119 = tpu.memref_squeeze %dma_wait3A_118 : memref<1x80xi32, #tpu.memory_space<vmem>> -> memref<80xi32, #tpu.memory_space<vmem>>
        %dma_wait3A_120 = arith.constant 0 : i32
        %dma_wait3A_121 = arith.constant 0 : i32
        %dma_wait3A_122 = tpu.memref_slice %arg4[%dma_wait3A_120, %dma_wait3A_121] : memref<10000x128xf32, #tpu.memory_space<hbm>> -> memref<10000x128xf32, #tpu.memory_space<hbm>>
        tpu.wait_indirect_dma semaphore(%arg15 : memref<!tpu.dma_semaphore, #tpu.memory_space<semaphore_mem>>) src(%dma_wait3A_122 : memref<10000x128xf32, #tpu.memory_space<hbm>>) dst(%arg11 : memref<80x128xf32, #tpu.memory_space<vmem>>)
        %and3A_123 = arith.constant 7 : i32
        %and3A_124 = arith.andi %scan3A_59, %and3A_123 : i32
        %dma_start3A_125 = arith.constant 0 : i32
        %dma_start3A_126 = tpu.memref_slice %arg8[%and3A_124, %dma_start3A_125] : memref<8x80xi32, #tpu.memory_space<vmem>> -> memref<1x80xi32, #tpu.memory_space<vmem>>
        %dma_start3A_127 = tpu.memref_squeeze %dma_start3A_126 : memref<1x80xi32, #tpu.memory_space<vmem>> -> memref<80xi32, #tpu.memory_space<vmem>>
        %dma_start3A_128 = arith.constant 0 : i32
        %dma_start3A_129 = arith.constant 0 : i32
        %dma_start3A_130 = tpu.memref_slice %arg12[%dma_start3A_128, %dma_start3A_129] : memref<10240x128xf32, #tpu.memory_space<vmem_shared>> -> memref<10240x128xf32, #tpu.memory_space<vmem_shared>>
        tpu.enqueue_indirect_dma source(%arg11 : memref<80x128xf32, #tpu.memory_space<vmem>>) target(%dma_start3A_130 : memref<10240x128xf32, #tpu.memory_space<vmem_shared>>) offsets(%dma_start3A_127 : memref<80xi32, #tpu.memory_space<vmem>>) semaphore(%arg18 : memref<!tpu.dma_semaphore, #tpu.memory_space<semaphore_mem>>) {add = true}
        %add3A_131 = arith.constant 2 : i32
        %add3A_132 = arith.addi %scan3A_59, %add3A_131 : i32
        %lt3A_133 = arith.constant 125 : i32
        %lt3A_134 = arith.cmpi slt, %add3A_132, %lt3A_133 : i32
        %convert_element_type3A_135 = arith.extui %lt3A_134 : i1 to i32
        %cond3A_136 = arith.constant 0 : i32
        %cond3A_137 = arith.cmpi ne, %convert_element_type3A_135, %cond3A_136 : i32
        scf.if %cond3A_137 {
          %add3A_138 = arith.constant 2 : i32
          %add3A_139 = arith.addi %scan3A_59, %add3A_138 : i32
          %dma_start3A_140 = arith.constant 0 : i32
          %dma_start3A_141 = tpu.memref_slice %arg7[%add3A_139, %dma_start3A_140] : memref<125x80xi32, #tpu.memory_space<vmem>> -> memref<1x80xi32, #tpu.memory_space<vmem>>
          %dma_start3A_142 = tpu.memref_squeeze %dma_start3A_141 : memref<1x80xi32, #tpu.memory_space<vmem>> -> memref<80xi32, #tpu.memory_space<vmem>>
          %dma_start3A_143 = arith.constant 0 : i32
          %dma_start3A_144 = arith.constant 0 : i32
          %dma_start3A_145 = tpu.memref_slice %arg4[%dma_start3A_143, %dma_start3A_144] : memref<10000x128xf32, #tpu.memory_space<hbm>> -> memref<10000x128xf32, #tpu.memory_space<hbm>>
          tpu.enqueue_indirect_dma source(%dma_start3A_145 : memref<10000x128xf32, #tpu.memory_space<hbm>>) target(%arg10 : memref<80x128xf32, #tpu.memory_space<vmem>>) offsets(%dma_start3A_142 : memref<80xi32, #tpu.memory_space<vmem>>) semaphore(%arg14 : memref<!tpu.dma_semaphore, #tpu.memory_space<semaphore_mem>>)
        } else {
        }
      } else {
      }
    }
    %scan3A_39 = arith.constant 125 : i32
    %dma_wait3A_40 = arith.constant 0 : i32
    %dma_wait3A_41 = arith.constant 0 : i32
    %dma_wait3A_42 = tpu.memref_slice %arg8[%dma_wait3A_40, %dma_wait3A_41] : memref<8x80xi32, #tpu.memory_space<vmem>> -> memref<1x80xi32, #tpu.memory_space<vmem>>
    %dma_wait3A_43 = tpu.memref_squeeze %dma_wait3A_42 : memref<1x80xi32, #tpu.memory_space<vmem>> -> memref<80xi32, #tpu.memory_space<vmem>>
    %dma_wait3A_44 = arith.constant 0 : i32
    %dma_wait3A_45 = arith.constant 0 : i32
    %dma_wait3A_46 = tpu.memref_slice %arg12[%dma_wait3A_44, %dma_wait3A_45] : memref<10240x128xf32, #tpu.memory_space<vmem_shared>> -> memref<10240x128xf32, #tpu.memory_space<vmem_shared>>
    tpu.wait_indirect_dma semaphore(%arg17 : memref<!tpu.dma_semaphore, #tpu.memory_space<semaphore_mem>>) src(%arg10 : memref<80x128xf32, #tpu.memory_space<vmem>>) dst(%dma_wait3A_46 : memref<10240x128xf32, #tpu.memory_space<vmem_shared>>)
    %barrier3A_47 = arith.constant 0 : index
    tpu.barrier barrier_id(%barrier3A_47)
    %mul3A_48 = arith.constant 10000 : i32
    %mul3A_49 = arith.muli %arg0, %mul3A_48 : i32
    %mul3A_50 = arith.constant 640 : i32
    %mul3A_51 = arith.muli %arg1, %mul3A_50 : i32
    %add3A_52 = arith.addi %mul3A_49, %mul3A_51 : i32
    %lt3A = arith.constant 15 : i32
    %lt3A_53 = arith.cmpi slt, %arg1, %lt3A : i32
    %convert_element_type3A = arith.extui %lt3A_53 : i1 to i32
    %cond3A = arith.constant 0 : i32
    %cond3A_54 = arith.cmpi ne, %convert_element_type3A, %cond3A : i32
    scf.if %cond3A_54 {
      %mul3A_59 = arith.constant 640 : i32
      %mul3A_60 = arith.muli %arg1, %mul3A_59 : i32
      "tpu.region"() ({
        %run_scoped3A = tpu.sem_alloc : memref<!tpu.dma_semaphore, #tpu.memory_space<semaphore_mem>>
        %dma_start3A_61 = arith.constant 0 : i32
        %dma_start3A_62 = tpu.memref_slice %arg6[%add3A_52, %dma_start3A_61] : memref<20000x128xf32, #tpu.memory_space<hbm>> -> memref<640x128xf32, #tpu.memory_space<hbm>>
        %dma_start3A_63 = arith.constant 0 : i32
        %dma_start3A_64 = tpu.memref_slice %arg12[%mul3A_60, %dma_start3A_63] : memref<10240x128xf32, #tpu.memory_space<vmem_shared>> -> memref<640x128xf32, #tpu.memory_space<vmem_shared>>
        tpu.enqueue_dma source(%dma_start3A_64 : memref<640x128xf32, #tpu.memory_space<vmem_shared>>) target(%dma_start3A_62 : memref<640x128xf32, #tpu.memory_space<hbm>>) target_semaphore(%run_scoped3A : memref<!tpu.dma_semaphore, #tpu.memory_space<semaphore_mem>>)
        %dma_wait3A_65 = arith.constant 0 : i32
        %dma_wait3A_66 = tpu.memref_slice %arg6[%add3A_52, %dma_wait3A_65] : memref<20000x128xf32, #tpu.memory_space<hbm>> -> memref<640x128xf32, #tpu.memory_space<hbm>>
        %dma_wait3A_67 = arith.constant 0 : i32
        %dma_wait3A_68 = tpu.memref_slice %arg12[%mul3A_60, %dma_wait3A_67] : memref<10240x128xf32, #tpu.memory_space<vmem_shared>> -> memref<640x128xf32, #tpu.memory_space<vmem_shared>>
        tpu.wait_dma2 semaphore(%run_scoped3A : memref<!tpu.dma_semaphore, #tpu.memory_space<semaphore_mem>>) src(%dma_wait3A_68 : memref<640x128xf32, #tpu.memory_space<vmem_shared>>) dst(%dma_wait3A_66 : memref<640x128xf32, #tpu.memory_space<hbm>>)
        tpu.yield
      }) : () -> ()
    } else {
    }
    %eq3A = arith.constant 15 : i32
    %eq3A_55 = arith.cmpi eq, %arg1, %eq3A : i32
    %convert_element_type3A_56 = arith.extui %eq3A_55 : i1 to i32
    %cond3A_57 = arith.constant 0 : i32
    %cond3A_58 = arith.cmpi ne, %convert_element_type3A_56, %cond3A_57 : i32
    scf.if %cond3A_58 {
      %mul3A_59 = arith.constant 640 : i32
      %mul3A_60 = arith.muli %arg1, %mul3A_59 : i32
      "tpu.region"() ({
        %run_scoped3A = tpu.sem_alloc : memref<!tpu.dma_semaphore, #tpu.memory_space<semaphore_mem>>
        %dma_start3A_61 = arith.constant 0 : i32
        %dma_start3A_62 = tpu.memref_slice %arg6[%add3A_52, %dma_start3A_61] : memref<20000x128xf32, #tpu.memory_space<hbm>> -> memref<400x128xf32, #tpu.memory_space<hbm>>
        %dma_start3A_63 = arith.constant 0 : i32
        %dma_start3A_64 = tpu.memref_slice %arg12[%mul3A_60, %dma_start3A_63] : memref<10240x128xf32, #tpu.memory_space<vmem_shared>> -> memref<400x128xf32, #tpu.memory_space<vmem_shared>>
        tpu.enqueue_dma source(%dma_start3A_64 : memref<400x128xf32, #tpu.memory_space<vmem_shared>>) target(%dma_start3A_62 : memref<400x128xf32, #tpu.memory_space<hbm>>) target_semaphore(%run_scoped3A : memref<!tpu.dma_semaphore, #tpu.memory_space<semaphore_mem>>)
        %dma_wait3A_65 = arith.constant 0 : i32
        %dma_wait3A_66 = tpu.memref_slice %arg6[%add3A_52, %dma_wait3A_65] : memref<20000x128xf32, #tpu.memory_space<hbm>> -> memref<400x128xf32, #tpu.memory_space<hbm>>
        %dma_wait3A_67 = arith.constant 0 : i32
        %dma_wait3A_68 = tpu.memref_slice %arg12[%mul3A_60, %dma_wait3A_67] : memref<10240x128xf32, #tpu.memory_space<vmem_shared>> -> memref<400x128xf32, #tpu.memory_space<vmem_shared>>
        tpu.wait_dma2 semaphore(%run_scoped3A : memref<!tpu.dma_semaphore, #tpu.memory_space<semaphore_mem>>) src(%dma_wait3A_68 : memref<400x128xf32, #tpu.memory_space<vmem_shared>>) dst(%dma_wait3A_66 : memref<400x128xf32, #tpu.memory_space<hbm>>)
        tpu.yield
      }) : () -> ()
    } else {
    }
    return
  }
}

module attributes {stable_mosaic.version = 14 : i64} {
  func.func @_mm_body(%arg0: i32, %arg1: memref<2x2000x128xf32, #tpu.memory_space<vmem>>, %arg2: memref<128x128xf32, #tpu.memory_space<vmem>>, %arg3: memref<1x128xf32, #tpu.memory_space<vmem>>, %arg4: memref<2000x128xf32, #tpu.memory_space<vmem>>) attributes {dimension_semantics = [#tpu.dimension_semantics<arbitrary>], iteration_bounds = array<i64: 5>, scalar_prefetch = 0 : i64, scratch_operands = 0 : i64, tpu.core_type = #tpu.core_type<tc>, window_params = [{transform_indices = @transform_0, window_bounds = array<i64: 2, 2000, 128>}, {pipeline_mode = #tpu.pipeline_mode<synchronous>, transform_indices = @transform_1, window_bounds = array<i64: 128, 128>}, {pipeline_mode = #tpu.pipeline_mode<synchronous>, transform_indices = @transform_2, window_bounds = array<i64: 1, 128>}, {transform_indices = @transform_3, window_bounds = array<i64: 2000, 128>}]} {
    %get3A = arith.constant 0 : index
    %get3A_0 = arith.constant 0 : index
    %get3A_1 = arith.constant 0 : index
    %get3A_2 = vector.load %arg1[%get3A, %get3A_0, %get3A_1] : memref<2x2000x128xf32, #tpu.memory_space<vmem>>, vector<1x2000x128xf32>
    %get3A_3 = vector.shape_cast %get3A_2 : vector<1x2000x128xf32> to vector<2000x128xf32>
    %get3A_4 = arith.constant 1 : index
    %get3A_5 = arith.constant 0 : index
    %get3A_6 = arith.constant 0 : index
    %get3A_7 = vector.load %arg1[%get3A_4, %get3A_5, %get3A_6] : memref<2x2000x128xf32, #tpu.memory_space<vmem>>, vector<1x2000x128xf32>
    %get3A_8 = vector.shape_cast %get3A_7 : vector<1x2000x128xf32> to vector<2000x128xf32>
    %add3A = arith.addf %get3A_3, %get3A_8 : vector<2000x128xf32>
    %get3A_9 = arith.constant 0 : index
    %get3A_10 = arith.constant 0 : index
    %get3A_11 = vector.load %arg2[%get3A_9, %get3A_10] : memref<128x128xf32, #tpu.memory_space<vmem>>, vector<128x128xf32>
    %dot_general3A = arith.constant dense<0.000000e+00> : vector<2000x128xf32>
    %dot_general3A_12 = tpu.matmul %add3A, %get3A_11, %dot_general3A {dimension_numbers = #tpu.dot_dimension_numbers<[1], [0], [0], [1], [0, 0, 1, 1], [], []>, transpose_lhs_hint = false} : vector<2000x128xf32>, vector<128x128xf32>, vector<2000x128xf32> -> vector<2000x128xf32>
    %get3A_13 = arith.constant 0 : index
    %get3A_14 = arith.constant 0 : index
    %get3A_15 = vector.load %arg3[%get3A_13, %get3A_14] : memref<1x128xf32, #tpu.memory_space<vmem>>, vector<1x128xf32>
    %add3A_16 = vector.broadcast %get3A_15 : vector<1x128xf32> to vector<2000x128xf32>
    %add3A_17 = arith.addf %dot_general3A_12, %add3A_16 : vector<2000x128xf32>
    %swap3A = arith.constant 0 : index
    %swap3A_18 = arith.constant 0 : index
    %swap3A_19 = vector.load %arg4[%swap3A, %swap3A_18] : memref<2000x128xf32, #tpu.memory_space<vmem>>, vector<2000x128xf32>
    tpu.vector_store %arg4[%swap3A, %swap3A_18], %add3A_17 {strides = array<i32>} : memref<2000x128xf32, #tpu.memory_space<vmem>>, vector<2000x128xf32>,
    return
  }
  func.func @transform_0(%arg0: i32) -> (i32, i32, i32) {
    %c0_i32 = arith.constant 0 : i32
    %c0_i32_0 = arith.constant 0 : i32
    %c0_i32_1 = arith.constant 0 : i32
    return %c0_i32, %arg0, %c0_i32_0 : i32, i32, i32
  }
  func.func @transform_1(%arg0: i32) -> (i32, i32) {
    %c0_i32 = arith.constant 0 : i32
    %c0_i32_0 = arith.constant 0 : i32
    %c0_i32_1 = arith.constant 0 : i32
    return %c0_i32, %c0_i32_0 : i32, i32
  }
  func.func @transform_2(%arg0: i32) -> (i32, i32) {
    %c0_i32 = arith.constant 0 : i32
    %c0_i32_0 = arith.constant 0 : i32
    %c0_i32_1 = arith.constant 0 : i32
    return %c0_i32, %c0_i32_0 : i32, i32
  }
  func.func @transform_3(%arg0: i32) -> (i32, i32) {
    %c0_i32 = arith.constant 0 : i32
    %c0_i32_0 = arith.constant 0 : i32
    return %arg0, %c0_i32 : i32, i32
  }
}

</mosaic_0001>

<sc_bundles>
// kernel: kernel.4.cloned.1.call-start
scs
__scs_entry_jumppad:
0x0: {  	(pc) =	sbr.rel $0x88, $3  }
0x1: {  	(tag) =	ssettag $0x0;
	lr =	simm.s32 $0x1  }
0x2: {  	[smem:$0x3F9D] =	sst lr;
	_ =	strace $0xD0000000  }
0x3: {  	_ = 	snop  }
0x4: {  	_ = 	snop  }
0x5: {  	_ = 	snop  }
0x6: {  	_ = 	snop  }
0x7: {  	_ = 	snop  }
__scs_overlays_trampoline_lowered:
0x8: {  	[smem:$0x3FAC] =	sst s0  }
0x9: {  	[smem:$0x3FAD] =	sst s1  }
0xa: {  	[smem:$0x3FAE] =	sst s2  }
0xb: {  	[smem:$0x3FAF] =	sst s3  }
0xc: {  	[smem:$0x3FB0] =	sst s4  }
0xd: {  	[smem:$0x3FB1] =	sst s5  }
0xe: {  	[smem:$0x3FB2] =	sst s6  }
0xf: {  	[smem:$0x3FB3] =	sst s7  }
0x10: {  	[smem:$0x3FB4] =	sst s8  }
0x11: {  	[smem:$0x3FB5] =	sst s9;
	s0 =	simm.s32 @!p0 $0x0  }
0x12: {  	s1 =	sld [smem:$0x3F9B];
	s0 =	simm.s32 @p0 $0x1  }
0x13: {  	[smem:$0x3FB6] =	sst s0;
	s0 =	simm.s32 @!p1 $0x0  }
0x14: {  	s2 =	sld [smem:$0x3F9A];
	s0 =	simm.s32 @p1 $0x1  }
0x15: {  	[smem:$0x3FB7] =	sst s0;
	s0 =	simm.s32 @!p2 $0x0  }
0x16: {  	s3 =	sld [smem:$0x3FDB];
	s0 =	simm.s32 @p2 $0x1  }
0x17: {  	s4 =	simm.s32 $0x1BF5;
	[smem:$0x3FB9] =	sst s0  }
0x18: {  	s0 =	sld [smem:$0x3F9C];
	_ =	swait.ge [sflag:s4], $0x0  }
0x19: {  	s7 =	sld [smem:$0x3F9D]  }
0x1a: {  	s8 =	sadd.s32 $0xFFFFE003, lr  }
0x1b: {  	s9 =	sadd.s32 $0xFFFFFEF7, lr;
	s5 =	simm.s32 $0xFFFFFFFF;
	p2 =	slt.u32 s8, $0xFFFFF086  }
0x1c: {  	p1 =	slt.u32 s9, $0xF7A;
	s5 =	simm.s32 @!p2 $0x0  }
0x1d: {  	s5 =	simm.s32 @p1 $0x1;
	p0 =	seq.s32 s7, s2  }
0x1e: {  	s7 =	smul.u32 @!p0 $0xF7A, s2;
	p2 =	seq.s32 @!p0 s5, $0x0  }
0x1f: {  	s9 =	smul.u32 $0xF7A, s1;
	s8 =	simm.s32 @!p0 $0x1BF5;
	p2 =	por !p2, p0  }
0x20: {  	[sflag:s8] =	ssyncset.s32 @!p0 $0xFFFFF086;
	s6 =	sadd.s32 @!p0 s3, s7;
	s7 =	simm.s32 @!p0 $0x108  }
0x21: {  	s3 =	sadd.s32 s3, s9;
	s6 =	sadd.s32 @!p0 $0x88, s6;
	s7 =	simm.s32 @p2 $0x1082  }
0x22: {  	[simem:s7], [sflag:s8] =	dma.local @!p0 [hbm:s6], $0xF7A  }
0x23: {  	s9 =	sor.u32 $0xD0000000, s2;
	s6 =	simm.s32 $0x108;
	_ =	swait.ge @!p0 [sflag:s8], $0x0  }
0x24: {  	s3 =	sadd.s32 $0x88, s3;
	s6 =	simm.s32 @!p1 $0x1082;
	[sflag:s4] =	ssyncset.s32 $0xFFFFF086  }
0x25: {  	[simem:s6], [sflag:s4] =	dma.local [hbm:s3], $0xF7A  }
0x26: {  	[smem:$0x3F9D] =	sst s1;
	(tag) =	ssettag s2;
	_ =	strace s9  }
0x27: {  	s1 =	sld [smem:$0x3FAD]  }
0x28: {  	s2 =	sld [smem:$0x3FAE]  }
0x29: {  	s4 =	sld [smem:$0x3FB0]  }
0x2a: {  	p0 =	seq.s32 s5, $0x0;
	s5 =	sld [smem:$0x3FB1]  }
0x2b: {  	s6 =	sld [smem:$0x3FB2]  }
0x2c: {  	s7 =	sld [smem:$0x3FB3]  }
0x2d: {  	s3 =	simm.s32 $0x108;
	s8 =	sld [smem:$0x3FB4]  }
0x2e: {  	s3 =	simm.s32 @!p0 $0x1082;
	s9 =	sld [smem:$0x3FB5]  }
0x2f: {  	lr =	sadd.s32 s0, s3;
	s0 =	sld [smem:$0x3FAC]  }
0x30: {  	s3 =	sld [smem:$0x3FAF]  }
0x31: {  	[smem:$0x3FB8] =	sst s10  }
0x32: {  	s10 =	sld [smem:$0x3FB6];
	_ =	sdelay $0x3  }
0x33: {  	p0 =	seq.s32 s10, $0x1;
	s10 =	sld [smem:$0x3FB8];
	_ =	sdelay $0x3  }
0x34: {  	[smem:$0x3FB8] =	sst s10  }
0x35: {  	s10 =	sld [smem:$0x3FB7];
	_ =	sdelay $0x3  }
0x36: {  	p1 =	seq.s32 s10, $0x1;
	s10 =	sld [smem:$0x3FB8];
	_ =	sdelay $0x3  }
0x37: {  	[smem:$0x3FB8] =	sst s10  }
0x38: {  	s10 =	sld [smem:$0x3FB9]  }
0x39: {  	_ = 	snop;
	(pc) =	sbr.ind lr, $3  }
0x3a: {  	_ = 	snop  }
0x3b: {  	_ = 	snop  }
0x3c: {  	p2 =	seq.s32 s10, $0x1;
	s10 =	sld [smem:$0x3FB8]  }
0x3d: {  	_ =	shalt  }
0x3e: {  	_ =	shalt  }
0x3f: {  	_ =	shalt  }
0x40: {  	_ =	shalt  }
0x41: {  	_ =	shalt  }
0x42: {  	_ =	shalt  }
0x43: {  	_ =	shalt  }
0x44: {  	_ =	shalt  }
0x45: {  	_ =	shalt  }
0x46: {  	_ =	shalt  }
0x47: {  	_ =	shalt  }
0x48: {  	_ =	shalt  }
0x49: {  	_ =	shalt  }
0x4a: {  	_ =	shalt  }
0x4b: {  	_ =	shalt  }
0x4c: {  	_ =	shalt  }
0x4d: {  	_ =	shalt  }
0x4e: {  	_ =	shalt  }
0x4f: {  	_ =	shalt  }
0x50: {  	_ =	shalt  }
0x51: {  	_ =	shalt  }
0x52: {  	_ =	shalt  }
0x53: {  	_ =	shalt  }
0x54: {  	_ =	shalt  }
0x55: {  	_ =	shalt  }
0x56: {  	_ =	shalt  }
0x57: {  	_ =	shalt  }
0x58: {  	_ =	shalt  }
0x59: {  	_ =	shalt  }
0x5a: {  	_ =	shalt  }
0x5b: {  	_ =	shalt  }
0x5c: {  	_ =	shalt  }
0x5d: {  	_ =	shalt  }
0x5e: {  	_ =	shalt  }
0x5f: {  	_ =	shalt  }
0x60: {  	_ =	shalt  }
0x61: {  	_ =	shalt  }
0x62: {  	_ =	shalt  }
0x63: {  	_ =	shalt  }
0x64: {  	_ =	shalt  }
0x65: {  	_ =	shalt  }
0x66: {  	_ =	shalt  }
0x67: {  	_ =	shalt  }
0x68: {  	_ =	shalt  }
0x69: {  	_ =	shalt  }
0x6a: {  	_ =	shalt  }
0x6b: {  	_ =	shalt  }
0x6c: {  	_ =	shalt  }
0x6d: {  	_ =	shalt  }
0x6e: {  	_ =	shalt  }
0x6f: {  	_ =	shalt  }
0x70: {  	_ =	shalt  }
0x71: {  	_ =	shalt  }
0x72: {  	_ =	shalt  }
0x73: {  	_ =	shalt  }
0x74: {  	_ =	shalt  }
0x75: {  	_ =	shalt  }
0x76: {  	_ =	shalt  }
0x77: {  	_ =	shalt  }
0x78: {  	_ =	shalt  }
0x79: {  	_ =	shalt  }
0x7a: {  	_ =	shalt  }
0x7b: {  	_ =	shalt  }
0x7c: {  	_ =	shalt  }
0x7d: {  	_ =	shalt  }
0x7e: {  	_ =	shalt  }
0x7f: {  	_ =	shalt  }
0x80: {  	_ =	shalt  }
0x81: {  	_ =	shalt  }
0x82: {  	_ =	shalt  }
0x83: {  	_ =	shalt  }
0x84: {  	_ =	shalt  }
0x85: {  	_ =	shalt  }
0x86: {  	_ =	shalt  }
0x87: {  	_ =	shalt  }
.Lfunc_end0:
.L_simem_size_0:
called_computation_lowered:
.L_overlay_start_0:
0x88: {  	s2 =	sld [smem:$0x3FD9]  }
0x89: {  	s3 =	sld [smem:$0x3FFE];
	_ =	sdelay $0x1  }
0x8a: {  	s1 =	srdreg.scid  }
0x8b: {  	s0 =	sand.u32 $0x1, s1  }
0x8c: {  	s17 =	sshll.u32 s0, $0xA;
	s2 =	sadd.s32 s3, s2  }
0x8d: {  	s2 =	sadd.s32 s2, s17  }
0x8e: {  	[smem:$0x3FC4] =	sst s2  }
0x8f: {  	_ = 	snop  }
0x90: {  	s2 =	sld [smem:$0x3FC8]  }
0x91: {  	s18 =	sld [smem:$0x3FD0];
	(tm) =	ssettm $0x1  }
0x92: {  	s4 =	sld [smem:$0x3FFB];
	_ =	sdelay $0x3  }
0x93: {  	_ =	strace s4  }
0x94: {  	s4 =	sld [smem:$0x3FFC];
	_ =	sdelay $0x3  }
0x95: {  	_ =	strace s4  }
0x96: {  	s4 =	sld [smem:$0x3FFD];
	_ =	sdelay $0x3  }
0x97: {  	_ =	strace s4  }
0x98: {  	_ =	strace $0x8FFFFFFF  }
0x99: {  	s19 =	sld [smem:$0x3FDB];
	_ =	sdelay $0x1  }
0x9a: {  	s5 =	simm.s32 $_scs_section_size  }
0x9b: {  	s6 =	simm.s32 $_size__tile_overlayer_lowered;
	s7 =	simm.s32 $_tile_overlayer_lowered  }
0x9c: {  	s22 =	simm.s32 $0x1BFF;
	s21 =	sshll.u32 s7, $0x1;
	s4 =	sadd.s32 s5, s19  }
0x9d: {  	s8 =	simm.s32 $0x0;
	s20 =	sshll.u32 s6, $0x1;
	s6 =	sadd.s32 s21, s4  }
0x9e: {  	[timem:s8], [sflag:s22] =	dma.local [hbm:s6], s20  }
0x9f: {  	_ =	swait.ge [sflag:s22], s20  }
0xa0: {  	s5 =	ssub.s32 $0x0, s20;
	[sflag:s22] =	ssyncset.done $0x0  }
0xa1: {  	[sflag:s22] =	ssyncadd.s32 s5;
	_ =	sdelay $0x1  }
0xa2: {  	s23 =	simm.s32 $0x1B8B  }
0xa3: {  	_ =	swait.ge [sflag:s23], $0x1  }
0xa4: {  	[sflag:s23] =	ssyncset.done $0x0  }
0xa5: {  	s25 =	simm.s32 $0x1B8E;
	s24 =	sld [smem:$0x3FFE];
	[sflag:s23] =	ssyncadd.s32 $0xFFFFFFFF  }
0xa6: {  	s26 =	simm.s32 $execute0_lowered;
	[smem:$0x3FD2] =	sst s25  }
0xa7: {  	s6 =	sshll.u32 s26, $0x1;
	_ =	strace $0x80000046;
	[dreg:$0x1] =	wrdreg $0xFFFFFFFF  }
0xa8: {  	s28 =	simm.s32 $_size_execute0_lowered;
	s4 =	sadd.s32 s4, s6;
	[dreg:$0x0] =	wrdreg $0x0  }
0xa9: {  	s6 =	sshll.u32 s28, $0x1;
	[dreg:$0x2] =	wrdreg s4  }
0xaa: {  	[dreg:$0x3] =	wrdreg s6  }
0xab: {  	[dreg:$0x4] =	wrdreg $0xC0  }
0xac: {  	_ =	task [dreg:s8], $0x5FFFF  }
0xad: {  	[dreg:$0x1] =	wrdreg $0xFFFFFFFF  }
0xae: {  	[dreg:$0x0] =	wrdreg $0x60  }
0xaf: {  	[dreg:$0x2] =	wrdreg s18  }
0xb0: {  	[dreg:$0x3] =	wrdreg s24  }
0xb1: {  	[dreg:$0x4] =	wrdreg s2  }
0xb2: {  	[dreg:$0x5] =	wrdreg $0xBC000  }
0xb3: {  	[dreg:$0x6] =	wrdreg $0x9  }
0xb4: {  	_ =	task.clear_ibuf [dreg:s8], $0x7FFFF;
	_ =	strace $0x90000046  }
0xb5: {  	s29 =	simm.s32 $0x9;
	_ =	strace $0x80000048  }
0xb6: {  	_ =	swait.ge [sflag:s29], $0x1  }
0xb7: {  	[sflag:s29] =	ssyncadd.s32 $0xFFFFFFFF  }
0xb8: {  	_ =	strace $0x90000048  }
0xb9: {  	_ =	sfence  }
0xba: {  	s30 =	sld [smem:$0x0];
	_ =	sdelay $0x2  }
0xbb: {  	s31 =	sshll.u32 s1, $0xD;
	s1 =	sshrl.u32 s1, $0x2  }
0xbc: {  	s3 =	sand.u32 $0x4000, s31;
	s1 =	sadd.s32 s1, s30  }
0xbd: {  	s0 =	sor.u32 s3, s0;
	s1 =	sshll.u32 s1, $0x11  }
0xbe: {  	s0 =	sor.u32 s1, s0  }
0xbf: {  	s0 =	sadd.s32 $0x8F2B, s0  }
0xc0: {  	[sflag:s0] =	ssyncadd.remote.s32 $0x1  }
0xc1: {  	_ =	sfence.sel $0xFFFF  }
0xc2: {  	[dreg:$0x0] =	wrdreg $0xFFFFFFFF;
	(pc) =	sbr.abs _section_cstart, $3  }
0xc3: {  	[dreg:$0x1] =	wrdreg $0xFFFFFFFF  }
0xc4: {  	_ =	task.clear_ibuf [dreg:s8], $0x2FFFF;
	_ =	strace $0x9FFFFFFF  }
0xc5: {  	(tm) =	ssettm $0x7FFFFFFF  }
tec
execute0_lowered:
.L_overlay_start_1:
0x0: {  	(tag) =	ssettag $0x1  }
0x1: {  	s0 =	rddreg [dreg:$0x0]  }
0x2: {  	s6 =	rddreg [dreg:$0x1]  }
0x3: {  	s1 =	rddreg [dreg:$0x2]  }
0x4: {  	s3 =	rddreg [dreg:$0x3];
	s5 =	srdreg.scid  }
0x5: {  	s4 =	simm.s32 $0x0;
	s2 =	stileid.u32;
	s14 =	simm.s32 $0x5  }
0x6: {  	s15 =	simm.s32 $0x50;
	s16 =	simm.s32 $0x4400;
	s17 =	simm.s32 $0x80  }
0x7: {  	s18 =	simm.s32 $0x6C00;
	s19 =	simm.s32 $0x4;
	s20 =	simm.s32 $0x4000  }
0x8: {  	s21 =	simm.s32 $0x7;
	s22 =	simm.s32 $0x3;
	s23 =	simm.s32 $0x9400  }
0x9: {  	s24 =	simm.s32 $0x2;
	s7 =	sand.u32 $0x1, s5;
	s9 =	smul.u32 $0x280, s2  }
0xa: {  	s25 =	sshll.u32 s2, $0xF;
	[smem:$0x7FF] =	sst s4;
	s28 =	smul.u32 $0x50000, s2  }
0xb: {  	s31 =	sshll.u32 s2, $0x6;
	p0 =	seq.s32 s2, $0xF;
	s8 =	sshll.u32 s7, $0xE  }
0xc: {  	s26 =	smul.u32 $0x2710, s7;
	_ =	strace $0x80000047;
	s7 =	ssub.s32 $0x2, s7  }
0xd: {  	s5 =	sor.u32 s8, s25;
	s29 =	sshrl.u32 s7, $0x1;
	s30 =	sshrl.u32 s28, $0x2  }
0xe: {  	s25 =	simm.s32 $0x1;
	s10 =	sshrl.u32 s5, $0x3;
	s8 =	sadd.s32 s9, s26  }
.Ltmp0:
0xf: {  	s5 =	sadd.s32 $0x10200, s6;
	s13 =	ssub.s32 s7, s29;
	(pc) =	sbr.rel .LBB2_1-.Ltmp0, $4  }
0x10: {  	s7 =	sor.u32 $0x1C04, s31;
	s26 =	simm.s32 $0x0;
	s8 =	sshll.u32 s8, $0x4  }
0x11: {  	s12 =	sadd.s32 s10, s6;
	s11 =	sadd.s32 s8, s6;
	s6 =	sadd.s32 s30, s3  }
0x12: {  	s8 =	sadd.s32 s0, s10;
	s9 =	sadd.s32 $0x980, s12;
	s12 =	sadd.s32 $0x200, s12  }
0x13: {  	s10 =	sadd.s32 $0x12A00, s11;
	s11 =	smax.u32 s13, $0x1;
	s13 =	sshrl.u32 s6, $0x3  }
.LBB2_17:
0x14: {  	_ =	swait.ge [sflag:s14], $0x2800  }
0x15: {  	[sflag:s14] =	ssyncset.done $0x0  }
0x16: {  	[sflag:s14] =	ssyncadd.s32 $0xFFFFD800  }
0x17: {  	s0 =	sshrl.u32 @p0 s6, $0x3;
	s28 =	simm.s32 @p0 $0x1FC7;
	[bflag:$0x0] =	sbarrier.arrive $0xFFFF  }
0x18: {  	[hbm:s10], [sflag:s28] =	dma.local @p0 [spmem:s0], $0x1900  }
0x19: {  	s0 =	simm.s32 @p0 $0x7  }
0x1a: {  	s26 =	sadd.s32 $0x1, s26;
	_ =	swait.ge @p0 [sflag:s0], $0x1900  }
0x1b: {  	p1 =	sne.s32 s26, s11;
	s28 =	sshll.u32 @!p0 s2, $0x6;
	[sflag:s0] =	ssyncset.done @p0 $0x0  }
0x1c: {  	[sflag:s0] =	ssyncadd.s32 @p0 $0xFFFFE700;
	s0 =	sor.u32 @!p0 $0x1C07, s28;
	s28 =	sshrl.u32 @!p0 s6, $0x3  }
0x1d: {  	[hbm:s10], [sflag:s0] =	dma.local @!p0 [spmem:s28], $0x2800  }
.Ltmp1:
0x1e: {  	_ = 	snop;
	(pc) =	sbr.rel @!p1 .LBB2_18-.Ltmp1, $4  }
0x1f: {  	s0 =	simm.s32 @!p0 $0x7  }
0x20: {  	_ =	swait.ge @!p0 [sflag:s0], $0x2800  }
0x21: {  	[sflag:s0] =	ssyncset.done @!p0 $0x0  }
0x22: {  	[sflag:s0] =	ssyncadd.s32 @!p0 $0xFFFFD800  }
.LBB2_1:
0x23: {  	[spmem:s13], [sflag:s7] =	dma.local [hbm:s5], $0x2800  }
0x24: {  	[tilespmem:s4], [sflag:$0x5] =	stream.linear.gather [hbm4b:s8+s4], $0x3E80, $0x38;
	[tilespmem:$0x1FC00] =	vst v63  }
0x25: {  	_ =	swait.ge [sflag:s14], $0x3E80  }
0x26: {  	[sflag:s14] =	ssyncset.done $0x0  }
0x27: {  	[sflag:s14] =	ssyncadd.s32 $0xFFFFC180  }
0x28: {  	[tilespmem:s16], [sflag:$0x1] =	stream.indirect.gather [hbm4b:s1+s15], $0x80, s4, s15, $0xb8;
	[tilespmem:$0x1FC00] =	vst v63  }
0x29: {  	_ = 	snop  }
0x2a: {  	[tilespmem:s18], [sflag:$0x2] =	stream.indirect.gather [hbm4b:s1+s15], $0x80, s17, s15, $0xb8;
	[tilespmem:$0x1FC00] =	vst v63  }
.Ltmp2:
0x2b: {  	_ =	swait.ge [sflag:s19], $0x2800;
	(pc) =	sbr.rel .LBB2_2-.Ltmp2, $4  }
0x2c: {  	[sflag:s19] =	ssyncset.done $0x0  }
0x2d: {  	[sflag:s19] =	ssyncadd.s32 $0xFFFFD800  }
0x2e: {  	[bflag:$0x0] =	sbarrier.arrive $0xFFFF  }
0x2f: {  	s28 =	simm.s32 $0x100;
	s29 =	smov.u32 s12;
	s30 =	simm.s32 $0x0  }
.LBB2_13:
0x30: {  	[tilespmem:s20], [sflag:$0x7] =	stream.linear.gather [hbm4b:s9+s4], $0x280, $0x38;
	[tilespmem:$0x1FC00] =	vst v63  }
0x31: {  	_ =	swait.ge [sflag:s21], $0x280  }
0x32: {  	[sflag:s21] =	ssyncset.done $0x0  }
0x33: {  	[sflag:s21] =	ssyncadd.s32 $0xFFFFFD80  }
.LBB2_14:
0x34: {  	_ =	swait.ge [sflag:s25], $0x2800  }
0x35: {  	s0 =	sshll.u32 s31, $0x7;
	[sflag:s25] =	ssyncset.done $0x0  }
0x36: {  	p1 =	sgt.u32 s30, $0x7A;
	s0 =	sor.u32 $0x4000, s0;
	[sflag:s25] =	ssyncadd.s32 $0xFFFFD800  }
0x37: {  	[spmem:s3] =	stream.indirect.scatter.add.f32 [tilespmem:s16], [sflag:$0x4], $0x80, s0, s15, $0xb8;
	[tilespmem:$0x1FC00] =	vst v63  }
0x38: {  	s31 =	simm.s32 @!p1 $0x9400;
	s0 =	simm.s32 @!p1 $0x50  }
0x39: {  	[tilespmem:s31], [sflag:$0x3] =	stream.indirect.gather @!p1 [hbm4b:s1+s0], $0x80, s28, s0, $0xb8;
	[tilespmem:$0x1FC00] =	vst v63  }
.LBB2_16:
0x3a: {  	s30 =	sadd.s32 $0x1, s30  }
0x3b: {  	p1 =	sne.s32 s30, $0x7D  }
.Ltmp3:
0x3c: {  	_ = 	snop;
	(pc) =	sbr.rel @!p1 .LBB2_17-.Ltmp3, $2  }
0x3d: {  	_ =	sdelay $0x2  }
0x3e: {  	s29 =	sadd.s32 $0x10, s29;
	s28 =	sadd.s32 $0x80, s28  }
.LBB2_2:
0x3f: {  	s0 =	sadd.s32 $0x2, s30  }
0x40: {  	s31 =	smul.u32 $0xAB, s0;
	_ =	sdelay $0x1  }
0x41: {  	s31 =	sshrl.u32 s31, $0x9  }
0x42: {  	s31 =	sand.u32 $0x7F, s31  }
0x43: {  	s31 =	smul.u32 $0x3, s31;
	_ =	sdelay $0x1  }
0x44: {  	s0 =	ssub.s32 s0, s31  }
0x45: {  	s0 =	sand.u32 $0xFF, s0  }
0x46: {  	p1 =	seq.s32 s0, $0x0  }
.Ltmp4:
0x47: {  	_ = 	snop;
	(pc) =	sbr.rel @p1 .LBB2_3-.Ltmp4, $1  }
0x48: {  	_ =	sdelay $0x3  }
0x49: {  	p1 =	sne.s32 s0, $0x1  }
.Ltmp5:
0x4a: {  	_ = 	snop;
	(pc) =	sbr.rel @p1 .LBB2_6-.Ltmp5, $1  }
0x4b: {  	_ =	sdelay $0x3  }
.Ltmp6:
0x4c: {  	(pc) =	sbr.rel .LBB2_7-.Ltmp6, $2  }
0x4d: {  	_ =	sdelay $0x2  }
0x4e: {  	s0 =	simm.s32 $0x5  }
.LBB2_3:
.Ltmp7:
0x4f: {  	(pc) =	sbr.rel .LBB2_7-.Ltmp7, $2  }
0x50: {  	_ =	sdelay $0x2  }
0x51: {  	s0 =	simm.s32 $0x4  }
.LBB2_6:
0x52: {  	p1 =	seq.s32 s30, $0x0  }
.Ltmp8:
0x53: {  	_ = 	snop;
	(pc) =	sbr.rel @p1 .LBB2_8-.Ltmp8, $2  }
0x54: {  	_ =	sdelay $0x2  }
0x55: {  	s0 =	simm.s32 $0x6  }
.LBB2_7:
0x56: {  	s31 =	sand.u32 $0x7, s30;
	p1 =	sgt.u32 s30, $0x77  }
0x57: {  	p2 =	sne.s32 @!p1 s31, $0x0  }
0x58: {  	p1 =	por p1, p2  }
.Ltmp9:
0x59: {  	_ = 	snop;
	(pc) =	sbr.rel @p1 .LBB2_12-.Ltmp9, $4  }
0x5a: {  	_ = 	snop  }
0x5b: {  	_ =	swait.ge [sflag:s0], $0x2800  }
0x5c: {  	[sflag:s0] =	ssyncset.done $0x0  }
0x5d: {  	[sflag:s0] =	ssyncadd.s32 $0xFFFFD800  }
.LBB2_8:
0x5e: {  	s31 =	simm.s32 $0x0  }
0x5f: {  	[tilespmem:s20], [sflag:$0x7] =	stream.linear.gather [hbm4b:s29+s31], $0x400, $0x38;
	[tilespmem:$0x1FC00] =	vst v63  }
0x60: {  	_ =	swait.ge [sflag:s21], $0x400  }
0x61: {  	[sflag:s21] =	ssyncset.done $0x0  }
0x62: {  	[sflag:s21] =	ssyncadd.s32 $0xFFFFFC00  }
.LBB2_9:
0x63: {  	s0 =	smul.u32 $0xAB, s30;
	_ =	sdelay $0x1  }
0x64: {  	s0 =	sshrl.u32 s0, $0x9  }
0x65: {  	s0 =	sand.u32 $0x7F, s0  }
0x66: {  	s0 =	smul.u32 $0x3, s0;
	_ =	sdelay $0x1  }
0x67: {  	s0 =	ssub.s32 s30, s0  }
0x68: {  	s0 =	sand.u32 $0xFF, s0  }
0x69: {  	p1 =	seq.s32 s0, $0x2  }
.Ltmp10:
0x6a: {  	_ = 	snop;
	(pc) =	sbr.rel @p1 .LBB2_15-.Ltmp10, $1  }
0x6b: {  	_ =	sdelay $0x3  }
0x6c: {  	p1 =	seq.s32 s0, $0x1  }
.Ltmp11:
0x6d: {  	_ = 	snop;
	(pc) =	sbr.rel @!p1 .LBB2_14-.Ltmp11, $1  }
0x6e: {  	_ =	sdelay $0x3  }
0x6f: {  	_ =	swait.ge [sflag:s24], $0x2800  }
.Ltmp12:
0x70: {  	s0 =	sshll.u32 s31, $0x7;
	[sflag:s24] =	ssyncset.done $0x0;
	(pc) =	sbr.rel .LBB2_16-.Ltmp12, $4  }
0x71: {  	p1 =	sgt.u32 s30, $0x7A;
	s0 =	sor.u32 $0x4000, s0;
	[sflag:s24] =	ssyncadd.s32 $0xFFFFD800  }
0x72: {  	[spmem:s3] =	stream.indirect.scatter.add.f32 [tilespmem:s18], [sflag:$0x5], $0x80, s0, s15, $0xb8;
	[tilespmem:$0x1FC00] =	vst v63  }
0x73: {  	s31 =	simm.s32 @!p1 $0x4400;
	s0 =	simm.s32 @!p1 $0x50  }
0x74: {  	[tilespmem:s31], [sflag:$0x1] =	stream.indirect.gather @!p1 [hbm4b:s1+s0], $0x80, s28, s0, $0xb8;
	[tilespmem:$0x1FC00] =	vst v63  }
.LBB2_12:
0x75: {  	p1 =	sne.s32 s30, $0x78  }
.Ltmp13:
0x76: {  	_ = 	snop;
	(pc) =	sbr.rel @p1 .LBB2_9-.Ltmp13, $4  }
.Ltmp14:
0x77: {  	_ = 	snop;
	(pc) =	sbr.rel @!p1 .LBB2_13-.Ltmp14, $4  }
0x78: {  	_ = 	snop  }
0x79: {  	_ = 	snop  }
0x7a: {  	_ = 	snop  }
0x7b: {  	_ = 	snop  }
.LBB2_15:
0x7c: {  	_ =	swait.ge [sflag:s22], $0x2800  }
.Ltmp15:
0x7d: {  	s0 =	sshll.u32 s31, $0x7;
	[sflag:s22] =	ssyncset.done $0x0;
	(pc) =	sbr.rel .LBB2_16-.Ltmp15, $4  }
0x7e: {  	p1 =	sgt.u32 s30, $0x7A;
	s0 =	sor.u32 $0x4000, s0;
	[sflag:s22] =	ssyncadd.s32 $0xFFFFD800  }
0x7f: {  	[spmem:s3] =	stream.indirect.scatter.add.f32 [tilespmem:s23], [sflag:$0x6], $0x80, s0, s15, $0xb8;
	[tilespmem:$0x1FC00] =	vst v63  }
0x80: {  	s31 =	simm.s32 @!p1 $0x6C00;
	s0 =	simm.s32 @!p1 $0x50  }
0x81: {  	[tilespmem:s31], [sflag:$0x2] =	stream.indirect.gather @!p1 [hbm4b:s1+s0], $0x80, s28, s0, $0xb8;
	[tilespmem:$0x1FC00] =	vst v63  }
.LBB2_18:
0x82: {  	_ =	sfence.sel $0x180000  }
0x83: {  	[bflag:$0x0] =	sbarrier.arrive $0xFFFF  }
0x84: {  	_ =	strace $0x90000047  }
0x85: {  	[bflag:$0x2] =	sbarrier.arrive $0xFFFF  }
0x86: {  	p0 =	sne.s32 s2, $0x0;
	s0 =	rddreg [dreg:$0x4]  }
0x87: {  	s0 =	sadd.s32 @!p0 $0x100000, s0  }
0x88: {  	[sflag:s0] =	ssyncadd.tile.s32 @!p0 $0x1;
	_ =	shalt  }
.Lfunc_end2:
_tile_overlayer_lowered:
.L_overlay_start_2:
0x89: {  	(tag) =	ssettag $0x2  }
0x8a: {  	s0 =	rddreg [dreg:$0x0];
	s2 =	stileid.u32  }
0x8b: {  	s1 =	rddreg [dreg:$0x1];
	p0 =	sne.s32 s2, $0x0  }
0x8c: {  	s3 =	rddreg [dreg:$0x2];
	[bflag:$0x3] =	sbarrier.arrive $0xFFFF;
	s2 =	simm.s32 @!p0 $0x1C07  }
0x8d: {  	[timem:s3], [sflag:s2] =	dma.local @!p0 [hbm:s0], s1  }
0x8e: {  	s0 =	simm.s32 @!p0 $0x7  }
0x8f: {  	_ =	swait.ge @!p0 [sflag:s0], s1  }
0x90: {  	s1 =	ssub.s32 @!p0 $0x0, s1;
	[sflag:s0] =	ssyncset.done @!p0 $0x0  }
0x91: {  	[sflag:s0] =	ssyncadd.s32 @!p0 s1  }
0x92: {  	[bflag:$0x3] =	sbarrier.arrive $0xFFFF  }
0x93: {  	_ =	shalt  }

</sc_bundles>
